<compile_context>
chip_gen: v7x
topology: tpu7x:2x2x1
jax: 0.10.2.dev20260603
libtpu: 0.0.44.dev20260713+nightly
codegen_flags: <defaults>
</compile_context>

<pallas_src>
import jax
import jax.numpy as jnp
from jax.experimental import pallas as pl
from jax.experimental.pallas import tpu as pltpu

_BLOCK = 8000


def _mpn_block_kernel(x1_ref, x2_ref, x3_ref, w1_ref, w2_ref, w3_ref, b_ref,
                      out_ref):
    acc = jnp.dot(x1_ref[...], w1_ref[...], preferred_element_type=jnp.float32)
    acc = acc + jnp.dot(x3_ref[...], w3_ref[...],
                        preferred_element_type=jnp.float32)
    y2 = jnp.dot(x2_ref[...], w2_ref[...], preferred_element_type=jnp.float32)
    acc = acc + y2.reshape(acc.shape)
    acc = acc + b_ref[...]
    out_ref[...] = jnp.maximum(acc, 0.0)


def kernel(f_src, f, sum_msg, w1, w2, w3, b):
    e, d_ndata = f_src.shape
    d_edata = f.shape[1]
    d_msg = sum_msg.shape[1]

    p1 = 128 // d_ndata
    p2 = 128 // d_edata
    p3 = 128 // d_msg

    x1 = f_src.reshape(e // p1, 128)
    x2 = f.reshape(e // p2, 128)
    x3 = sum_msg.reshape(e // p3, 128)
    w1b = jnp.kron(jnp.eye(p1, dtype=jnp.float32), w1)
    w2b = jnp.kron(jnp.eye(p2, dtype=jnp.float32), w2)
    w3b = jnp.kron(jnp.eye(p3, dtype=jnp.float32), w3)
    bt = jnp.tile(b, (1, p3))

    ep = e // p3
    block = _BLOCK if ep % _BLOCK == 0 else ep
    grid = ep // block
    bf = block // 2

    out = pl.pallas_call(
        _mpn_block_kernel,
        grid=(grid,),
        in_specs=[
            pl.BlockSpec((block, 128), lambda i: (i, 0)),
            pl.BlockSpec((bf, 128), lambda i: (i, 0)),
            pl.BlockSpec((block, 128), lambda i: (i, 0)),
            pl.BlockSpec((128, 128), lambda i: (0, 0)),
            pl.BlockSpec((128, p2 * d_msg), lambda i: (0, 0)),
            pl.BlockSpec((128, 128), lambda i: (0, 0)),
            pl.BlockSpec((1, 128), lambda i: (0, 0)),
        ],
        out_specs=pl.BlockSpec((block, 128), lambda i: (i, 0)),
        out_shape=jax.ShapeDtypeStruct((ep, 128), jnp.float32),
        compiler_params=pltpu.CompilerParams(
            dimension_semantics=("parallel",)),
    )(x1, x2, x3, w1b, w2b, w3b, bt)
    return out.reshape(e, d_msg)

# --- scband reference (transcript-rebuilt; emitter-appended) ---
"""Pipeline reference for scband-graph2-graph-36034775613536 (READ-ONLY COPY).

The authoritative reference and input builder live on the scoring server;
editing this copy changes nothing except your own understanding.
"""

import jax, jax.numpy as jnp
import numpy as np

E = 1600000
D_NDATA = 32
D_EDATA = 16
D_MSG = 32

def setup_inputs(seed: int = 0) -> dict:
    key = jax.random.key(seed)
    k1, k2, k3, k4, k5, k6 = jax.random.split(key, 6)
    return {
        "f_src": jax.random.normal(k1, (E, D_NDATA), dtype=jnp.float32),
        "f": jax.random.normal(k2, (E, D_EDATA), dtype=jnp.float32),
        "sum_msg": jax.random.normal(k3, (E, D_MSG), dtype=jnp.float32),
        "w1": 0.001 * jax.random.uniform(k4, (D_NDATA, D_MSG), dtype=jnp.float32),
        "w2": 0.001 * jax.random.uniform(k5, (D_EDATA, D_MSG), dtype=jnp.float32),
        "w3": 0.001 * jax.random.uniform(k6, (D_MSG, D_MSG), dtype=jnp.float32),
        "b": jnp.zeros((1, D_MSG), dtype=jnp.float32),
    }

def reference(f_src, f, sum_msg, w1, w2, w3, b):
    # G1 message function: relu(f_src @ w1 + f @ w2 + sum_msg @ w3 + b)
    return jax.nn.relu(f_src @ w1 + f @ w2 + sum_msg @ w3 + b)

if __name__ == "__main__":
    import jax
    _d = setup_inputs()
    print(jax.jit(kernel)(*tuple(_d.values())))

</pallas_src>

<mosaic_0001>
module attributes {stable_mosaic.version = 14 : i64} {
  func.func @_mpn_block_kernel(%arg0: i32, %arg1: memref<8000x128xf32, #tpu.memory_space<vmem>>, %arg2: memref<4000x128xf32, #tpu.memory_space<vmem>>, %arg3: memref<8000x128xf32, #tpu.memory_space<vmem>>, %arg4: memref<128x128xf32, #tpu.memory_space<vmem>>, %arg5: memref<128x256xf32, #tpu.memory_space<vmem>>, %arg6: memref<128x128xf32, #tpu.memory_space<vmem>>, %arg7: memref<1x128xf32, #tpu.memory_space<vmem>>, %arg8: memref<8000x128xf32, #tpu.memory_space<vmem>>) attributes {dimension_semantics = [#tpu.dimension_semantics<parallel>], iteration_bounds = array<i64: 50>, scalar_prefetch = 0 : i64, scratch_operands = 0 : i64, tpu.core_type = #tpu.core_type<tc>, window_params = [{transform_indices = @transform_0, window_bounds = array<i64: 8000, 128>}, {transform_indices = @transform_1, window_bounds = array<i64: 4000, 128>}, {transform_indices = @transform_2, window_bounds = array<i64: 8000, 128>}, {pipeline_mode = #tpu.pipeline_mode<synchronous>, transform_indices = @transform_3, window_bounds = array<i64: 128, 128>}, {pipeline_mode = #tpu.pipeline_mode<synchronous>, transform_indices = @transform_4, window_bounds = array<i64: 128, 256>}, {pipeline_mode = #tpu.pipeline_mode<synchronous>, transform_indices = @transform_5, window_bounds = array<i64: 128, 128>}, {pipeline_mode = #tpu.pipeline_mode<synchronous>, transform_indices = @transform_6, window_bounds = array<i64: 1, 128>}, {transform_indices = @transform_7, window_bounds = array<i64: 8000, 128>}]} {
    %get3A = arith.constant 0 : index
    %get3A_0 = arith.constant 0 : index
    %get3A_1 = vector.load %arg1[%get3A, %get3A_0] : memref<8000x128xf32, #tpu.memory_space<vmem>>, vector<8000x128xf32>
    %get3A_2 = arith.constant 0 : index
    %get3A_3 = arith.constant 0 : index
    %get3A_4 = vector.load %arg4[%get3A_2, %get3A_3] : memref<128x128xf32, #tpu.memory_space<vmem>>, vector<128x128xf32>
    %dot_general3A = arith.constant dense<0.000000e+00> : vector<8000x128xf32>
    %dot_general3A_5 = tpu.matmul %get3A_1, %get3A_4, %dot_general3A {dimension_numbers = #tpu.dot_dimension_numbers<[1], [0], [0], [1], [0, 0, 1, 1], [], []>, transpose_lhs_hint = false} : vector<8000x128xf32>, vector<128x128xf32>, vector<8000x128xf32> -> vector<8000x128xf32>
    %get3A_6 = arith.constant 0 : index
    %get3A_7 = arith.constant 0 : index
    %get3A_8 = vector.load %arg3[%get3A_6, %get3A_7] : memref<8000x128xf32, #tpu.memory_space<vmem>>, vector<8000x128xf32>
    %get3A_9 = arith.constant 0 : index
    %get3A_10 = arith.constant 0 : index
    %get3A_11 = vector.load %arg6[%get3A_9, %get3A_10] : memref<128x128xf32, #tpu.memory_space<vmem>>, vector<128x128xf32>
    %dot_general3A_12 = arith.constant dense<0.000000e+00> : vector<8000x128xf32>
    %dot_general3A_13 = tpu.matmul %get3A_8, %get3A_11, %dot_general3A_12 {dimension_numbers = #tpu.dot_dimension_numbers<[1], [0], [0], [1], [0, 0, 1, 1], [], []>, transpose_lhs_hint = false} : vector<8000x128xf32>, vector<128x128xf32>, vector<8000x128xf32> -> vector<8000x128xf32>
    %add3A = arith.addf %dot_general3A_5, %dot_general3A_13 : vector<8000x128xf32>
    %get3A_14 = arith.constant 0 : index
    %get3A_15 = arith.constant 0 : index
    %get3A_16 = vector.load %arg2[%get3A_14, %get3A_15] : memref<4000x128xf32, #tpu.memory_space<vmem>>, vector<4000x128xf32>
    %get3A_17 = arith.constant 0 : index
    %get3A_18 = arith.constant 0 : index
    %get3A_19 = vector.load %arg5[%get3A_17, %get3A_18] : memref<128x256xf32, #tpu.memory_space<vmem>>, vector<128x256xf32>
    %dot_general3A_20 = arith.constant dense<0.000000e+00> : vector<4000x256xf32>
    %dot_general3A_21 = tpu.matmul %get3A_16, %get3A_19, %dot_general3A_20 {dimension_numbers = #tpu.dot_dimension_numbers<[1], [0], [0], [1], [0, 0, 1, 1], [], []>, transpose_lhs_hint = false} : vector<4000x128xf32>, vector<128x256xf32>, vector<4000x256xf32> -> vector<4000x256xf32>
    %reshape3A = vector.shape_cast %dot_general3A_21 : vector<4000x256xf32> to vector<8000x128xf32>
    %add3A_22 = arith.addf %add3A, %reshape3A : vector<8000x128xf32>
    %get3A_23 = arith.constant 0 : index
    %get3A_24 = arith.constant 0 : index
    %get3A_25 = vector.load %arg7[%get3A_23, %get3A_24] : memref<1x128xf32, #tpu.memory_space<vmem>>, vector<1x128xf32>
    %add3A_26 = vector.broadcast %get3A_25 : vector<1x128xf32> to vector<8000x128xf32>
    %add3A_27 = arith.addf %add3A_22, %add3A_26 : vector<8000x128xf32>
    %max3A = arith.constant 0.000000e+00 : f32
    %max3A_28 = vector.broadcast %max3A : f32 to vector<8000x128xf32>
    %max3A_29 = arith.maximumf %add3A_27, %max3A_28 : vector<8000x128xf32>
    %swap3A = arith.constant 0 : index
    %swap3A_30 = arith.constant 0 : index
    %swap3A_31 = vector.load %arg8[%swap3A, %swap3A_30] : memref<8000x128xf32, #tpu.memory_space<vmem>>, vector<8000x128xf32>
    tpu.vector_store %arg8[%swap3A, %swap3A_30], %max3A_29 {strides = array<i32>} : memref<8000x128xf32, #tpu.memory_space<vmem>>, vector<8000x128xf32>,
    return
  }
  func.func @transform_0(%arg0: i32) -> (i32, i32) {
    %c0_i32 = arith.constant 0 : i32
    %c0_i32_0 = arith.constant 0 : i32
    return %arg0, %c0_i32 : i32, i32
  }
  func.func @transform_1(%arg0: i32) -> (i32, i32) {
    %c0_i32 = arith.constant 0 : i32
    %c0_i32_0 = arith.constant 0 : i32
    return %arg0, %c0_i32 : i32, i32
  }
  func.func @transform_2(%arg0: i32) -> (i32, i32) {
    %c0_i32 = arith.constant 0 : i32
    %c0_i32_0 = arith.constant 0 : i32
    return %arg0, %c0_i32 : i32, i32
  }
  func.func @transform_3(%arg0: i32) -> (i32, i32) {
    %c0_i32 = arith.constant 0 : i32
    %c0_i32_0 = arith.constant 0 : i32
    %c0_i32_1 = arith.constant 0 : i32
    return %c0_i32, %c0_i32_0 : i32, i32
  }
  func.func @transform_4(%arg0: i32) -> (i32, i32) {
    %c0_i32 = arith.constant 0 : i32
    %c0_i32_0 = arith.constant 0 : i32
    %c0_i32_1 = arith.constant 0 : i32
    return %c0_i32, %c0_i32_0 : i32, i32
  }
  func.func @transform_5(%arg0: i32) -> (i32, i32) {
    %c0_i32 = arith.constant 0 : i32
    %c0_i32_0 = arith.constant 0 : i32
    %c0_i32_1 = arith.constant 0 : i32
    return %c0_i32, %c0_i32_0 : i32, i32
  }
  func.func @transform_6(%arg0: i32) -> (i32, i32) {
    %c0_i32 = arith.constant 0 : i32
    %c0_i32_0 = arith.constant 0 : i32
    %c0_i32_1 = arith.constant 0 : i32
    return %c0_i32, %c0_i32_0 : i32, i32
  }
  func.func @transform_7(%arg0: i32) -> (i32, i32) {
    %c0_i32 = arith.constant 0 : i32
    %c0_i32_0 = arith.constant 0 : i32
    return %arg0, %c0_i32 : i32, i32
  }
}

</mosaic_0001>

<sc_bundles>
// kernel: sparse-core-data-format-call.cloned.1.call-start
scs
called_computation_lowered:
.L_overlay_start_0:
0x0: {  	s2 =	sld [smem:$0x3FD9]  }
0x1: {  	s3 =	sld [smem:$0x3FFE];
	_ =	sdelay $0x1  }
0x2: {  	s1 =	srdreg.scid  }
0x3: {  	s0 =	sand.u32 $0x1, s1  }
0x4: {  	s18 =	sshll.u32 s0, $0xA;
	s2 =	sadd.s32 s3, s2  }
0x5: {  	s2 =	sadd.s32 s2, s18  }
0x6: {  	[smem:$0x3FC1] =	sst s2  }
0x7: {  	_ = 	snop  }
0x8: {  	s2 =	sld [smem:$0x3FD0];
	(tm) =	ssettm $0x1  }
0x9: {  	s19 =	sld [smem:$0x3FFB];
	_ =	sdelay $0x3  }
0xa: {  	_ =	strace s19  }
0xb: {  	s3 =	sld [smem:$0x3FFC];
	_ =	sdelay $0x3  }
0xc: {  	_ =	strace s3  }
0xd: {  	s3 =	sld [smem:$0x3FFD];
	_ =	sdelay $0x3  }
0xe: {  	_ =	strace s3  }
0xf: {  	_ =	strace $0x8FFFFFFF  }
0x10: {  	s20 =	sld [smem:$0x3FDB];
	_ =	sdelay $0x1  }
0x11: {  	s4 =	simm.s32 $_scs_section_size  }
0x12: {  	s5 =	simm.s32 $_size__tile_overlayer_lowered;
	s6 =	simm.s32 $_tile_overlayer_lowered  }
0x13: {  	s23 =	simm.s32 $0x1BFF;
	s22 =	sshll.u32 s6, $0x1;
	s3 =	sadd.s32 s4, s20  }
0x14: {  	s7 =	simm.s32 $0x0;
	s21 =	sshll.u32 s5, $0x1;
	s5 =	sadd.s32 s22, s3  }
0x15: {  	[timem:s7], [sflag:s23] =	dma.local [hbm:s5], s21  }
0x16: {  	_ =	swait.ge [sflag:s23], s21  }
0x17: {  	s4 =	ssub.s32 $0x0, s21;
	[sflag:s23] =	ssyncset.done $0x0  }
0x18: {  	[sflag:s23] =	ssyncadd.s32 s4;
	_ =	sdelay $0x1  }
0x19: {  	s24 =	simm.s32 $0x1B8B  }
0x1a: {  	_ =	swait.ge [sflag:s24], $0x1  }
0x1b: {  	[sflag:s24] =	ssyncset.done $0x0  }
0x1c: {  	s26 =	simm.s32 $0x1B8E;
	s25 =	sld [smem:$0x3FFE];
	[sflag:s24] =	ssyncadd.s32 $0xFFFFFFFF  }
0x1d: {  	s27 =	simm.s32 $execute0_lowered;
	[smem:$0x3FD2] =	sst s26  }
0x1e: {  	s5 =	sshll.u32 s27, $0x1;
	_ =	strace $0x80000046;
	[dreg:$0x1] =	wrdreg $0xFFFFFFFF  }
0x1f: {  	s28 =	simm.s32 $_size_execute0_lowered;
	s3 =	sadd.s32 s3, s5;
	[dreg:$0x0] =	wrdreg $0x0  }
0x20: {  	s5 =	sshll.u32 s28, $0x1;
	[dreg:$0x2] =	wrdreg s3  }
0x21: {  	[dreg:$0x3] =	wrdreg s5  }
0x22: {  	[dreg:$0x4] =	wrdreg $0xC0  }
0x23: {  	_ =	task [dreg:s7], $0x5FFFF  }
0x24: {  	[dreg:$0x1] =	wrdreg $0xFFFFFFFF  }
0x25: {  	[dreg:$0x0] =	wrdreg $0x60  }
0x26: {  	[dreg:$0x2] =	wrdreg s25  }
0x27: {  	[dreg:$0x3] =	wrdreg s2  }
0x28: {  	[dreg:$0x4] =	wrdreg $0x9  }
0x29: {  	_ =	task.clear_ibuf [dreg:s7], $0x5FFFF;
	_ =	strace $0x90000046  }
0x2a: {  	s29 =	simm.s32 $0x9;
	_ =	strace $0x80000048  }
0x2b: {  	_ =	swait.ge [sflag:s29], $0x1  }
0x2c: {  	[sflag:s29] =	ssyncadd.s32 $0xFFFFFFFF  }
0x2d: {  	_ =	strace $0x90000048  }
0x2e: {  	_ =	sfence  }
0x2f: {  	s30 =	sld [smem:$0x0];
	_ =	sdelay $0x2  }
0x30: {  	s31 =	sshll.u32 s1, $0xD;
	s1 =	sshrl.u32 s1, $0x2  }
0x31: {  	s3 =	sand.u32 $0x4000, s31;
	s1 =	sadd.s32 s1, s30  }
0x32: {  	s0 =	sor.u32 s3, s0;
	s1 =	sshll.u32 s1, $0x11  }
0x33: {  	s0 =	sor.u32 s1, s0  }
0x34: {  	s0 =	sadd.s32 $0x8F2B, s0  }
0x35: {  	[sflag:s0] =	ssyncadd.remote.s32 $0x1  }
0x36: {  	_ =	sfence.sel $0xFFFF  }
0x37: {  	[dreg:$0x0] =	wrdreg $0xFFFFFFFF;
	(pc) =	sbr.abs _section_cstart, $3  }
0x38: {  	[dreg:$0x1] =	wrdreg $0xFFFFFFFF  }
0x39: {  	_ =	task.clear_ibuf [dreg:s7], $0x2FFFF;
	_ =	strace $0x9FFFFFFF  }
0x3a: {  	(tm) =	ssettm $0x7FFFFFFF  }
0x3b: {  	_ =	shalt  }
tec
execute0_lowered:
.L_overlay_start_1:
0x0: {  	(tag) =	ssettag $0x1  }
0x1: {  	s0 =	srdreg.scid  }
0x2: {  	s1 =	sshll.u32 s0, $0x4  }
0x3: {  	s4 =	rddreg [dreg:$0x0];
	s0 =	stileid.u32;
	s1 =	sand.u32 $0x10, s1  }
0x4: {  	s2 =	rddreg [dreg:$0x1];
	s7 =	simm.s32 $0x1;
	s1 =	sor.u32 s0, s1  }
0x5: {  	s8 =	simm.s32 $0x2;
	s11 =	simm.s32 $0x0;
	s3 =	sshll.u32 s1, $0x7  }
0x6: {  	s10 =	simm.s32 $0x0;
	s4 =	sadd.s32 $0x61BA00, s4;
	s6 =	ssub.s32 $0x186A00, s3  }
.Ltmp0:
0x7: {  	s1 =	rddreg [dreg:$0x2];
	s5 =	sand.u32 $0xF80, s6;
	(pc) =	sbr.rel .LBB1_1-.Ltmp0, $4  }
0x8: {  	_ =	strace $0x80000047;
	s9 =	smov.u32 s3;
	p0 =	sne.s32 s5, $0x0  }
0x9: {  	s6 =	sshrl.u32 s6, $0xC;
	s5 =	simm.s32 $0x1;
	s7 =	simm.s32 @!p0 $0x0  }
0xa: {  	[sflag:s5] =	ssyncpa.u1 $0x0;
	p0 =	por $0x0, $0x0;
	s6 =	sadd.s32 s7, s6  }
0xb: {  	[sflag:s8] =	ssyncpa.u1 $0x0;
	s8 =	simm.s32 $0xC35000;
	s7 =	sadd.s32 $0x1, s6  }
.LBB1_4:
0xc: {  	s14 =	sshll.u32 s11, $0x3  }
0xd: {  	s14 =	sand.u32 $0xFFFFFC00, s14  }
0xe: {  	s15 =	sshrl.u32 s14, $0x9  }
0xf: {  	s15 =	smulhi.u32 $0xA7C5AD, s15;
	_ =	sdelay $0x1  }
0x10: {  	s15 =	sshrl.u32 s15, $0x3  }
0x11: {  	s28 =	sand.u32 $0x7F, s11;
	s16 =	smul.u32 $0x186A00, s15  }
0x12: {  	s11 =	sor.u32 s28, s14  }
0x13: {  	s29 =	sand.u32 $0x1F, s15;
	s11 =	ssub.s32 s11, s16  }
0x14: {  	s14 =	smul.u32 $0x30D40, s29;
	s30 =	sshrl.u32 s11, $0x3;
	s11 =	sand.u32 $0x7, s11  }
0x15: {  	s15 =	sadd.s32 s2, s30;
	s11 =	sshll.u32 s11, $0x12  }
0x16: {  	[tilespmem:s13+$0x0 ss:$0x81] =	vst.msk $0xffff, v0;
	s31 =	sadd.s32 s14, s15;
	s11 =	sor.u32 $0x400, s11  }
0x17: {  	[hbm4b:s31+s11] =	stream.strided.scatter [tilespmem:s12], [sflag:$0x2], $0x1000, s8, s11, $0x20;
	[tilespmem:$0x4040] =	vst v63  }
.LBB1_5:
0x18: {  	s13 =	sadd.s32 $0x1000, s9  }
0x19: {  	p2 =	sgt.s32 s13, $0x1869FF  }
0x1a: {  	s13 =	smov.u32 @p2 s3;
	p2 =	sne.s32 s10, s7  }
.Ltmp1:
0x1b: {  	p1 =	slt.u32 s10, $0x2;
	(pc) =	sbr.rel @!p2 .LBB1_6-.Ltmp1, $4  }
0x1c: {  	s12 =	simm.s32 @!p1 $0x2  }
0x1d: {  	s14 =	sadd.s32 $0x1, s10;
	_ =	swait.ge @!p1 [sflag:s12], $0x1000  }
0x1e: {  	s11 =	smov.u32 s9;
	p0 =	por !p0, !p0;
	[sflag:s12] =	ssyncset.done @!p1 $0x0  }
0x1f: {  	s10 =	smov.u32 s14;
	s9 =	smov.u32 s13;
	[sflag:s12] =	ssyncadd.s32 @!p1 $0xFFFFF000  }
.LBB1_1:
0x20: {  	p1 =	sge.u32 s10, s6  }
0x21: {  	s12 =	sand.u32 @!p1 $0x1FFFFFF, s9  }
0x22: {  	s13 =	smulhi.u32 @!p1 $0x14F8B59, s12;
	_ =	sdelay $0x1  }
0x23: {  	s13 =	sshrl.u32 @!p1 s13, $0xD  }
0x24: {  	s13 =	smul.u32 @!p1 $0x186A00, s13;
	_ =	sdelay $0x1  }
0x25: {  	s31 =	sadd.s32 $0xFFFFFFFF, s10;
	s14 =	sxor.u32 @!p1 $0xFFFFFFFF, s10;
	s12 =	ssub.s32 @!p1 s12, s13  }
0x26: {  	s15 =	simm.s32 @!p1 $0x80;
	s14 =	sshll.u32 @!p1 s14, $0xC;
	s12 =	sshll.u32 @!p1 s12, $0x4  }
0x27: {  	s13 =	sand.u32 @!p1 $0x1000, s14;
	s14 =	simm.s32 @!p1 $0x20;
	s12 =	sadd.s32 @!p1 s4, s12  }
0x28: {  	[tilespmem:s13], [sflag:$0x1] =	stream.strided.gather @!p1 [hbm4b:s12+s14], $0x1000, s15, s14, $0x38;
	[tilespmem:$0x4040] =	vst v63  }
0x29: {  	p1 =	sge.u32 s31, s6  }
.Ltmp2:
0x2a: {  	_ = 	snop;
	(pc) =	sbr.rel @p1 .LBB1_5-.Ltmp2, $1  }
0x2b: {  	_ =	sdelay $0x3  }
0x2c: {  	s12 =	simm.s32 $0x1  }
0x2d: {  	_ =	swait.ge [sflag:s5], $0x1000;
	s12 =	simm.s32 @!p0 $0x0  }
0x2e: {  	[sflag:s5] =	ssyncset.done $0x0;
	s13 =	sshll.u32 s12, $0xC  }
0x2f: {  	[sflag:s5] =	ssyncadd.s32 $0xFFFFF000;
	s16 =	sor.u32 $0x10, s13  }
0x30: {  	s12 =	smul.u32 $0x4080, s12;
	v1 =	vld [tilespmem:s16+$0x0]  }
0x31: {  	s30 =	sand.u32 $0x1, s10;
	v0 =	vld [tilespmem:s16+$0xFFFFFFF0]  }
0x32: {  	s13 =	smul.u32 $0x4080, s30;
	s12 =	sshrl.u32 s12, $0x2  }
0x33: {  	s14 =	sor.u32 $0x2000, s12  }
0x34: {  	s31 =	sshrl.u32 s13, $0x2;
	s13 =	sadd.s32 $0x0, s14  }
0x35: {  	s15 =	simm.s32 $0x4;
	s16 =	sadd.s32 $0x20, s16;
	s12 =	sor.u32 $0x2000, s31;
	[tilespmem:s13+$0x810 ss:$0x81] =	vst.msk $0xffff, v1  }
.LBB1_3:
0x36: {  	v1 =	vld [tilespmem:s16+$0x0];
	p1 =	sne.s32 s15, $0x1FC;
	[tilespmem:s13+$0x0 ss:$0x81] =	vst.msk $0xffff, v0;
	s13 =	smov.u32 s15;
	s15 =	sadd.s32 $0x4, s15  }
.Ltmp3:
0x37: {  	v0 =	vld [tilespmem:s16+$0xFFFFFFF0];
	(pc) =	sbr.rel @p1 .LBB1_3-.Ltmp3, $4  }
0x38: {  	_ = 	snop  }
0x39: {  	s13 =	sshra.s32 s13, $0x2  }
0x3a: {  	s13 =	sadd.s32 s13, s14  }
0x3b: {  	s16 =	sadd.s32 $0x20, s16;
	[tilespmem:s13+$0x810 ss:$0x81] =	vst.msk $0xffff, v1  }
.Ltmp4:
0x3c: {  	_ = 	snop;
	(pc) =	sbr.rel .LBB1_4-.Ltmp4, $1  }
0x3d: {  	_ =	sdelay $0x3  }
.LBB1_6:
0x3e: {  	_ =	sfence.sel $0x180000  }
0x3f: {  	s2 =	simm.s32 $0x1;
	[bflag:$0x0] =	sbarrier.arrive $0xFFFF  }
0x40: {  	s31 =	simm.s32 $0x2;
	[sflag:s2] =	ssyncpa.u1 $0x1  }
0x41: {  	[sflag:s31] =	ssyncpa.u1 $0x1  }
0x42: {  	p0 =	sne.s32 s0, $0x0;
	_ =	strace $0x90000047  }
0x43: {  	s0 =	sadd.s32 @!p0 $0x100000, s1;
	[bflag:$0x2] =	sbarrier.arrive $0xFFFF  }
0x44: {  	[sflag:s0] =	ssyncadd.tile.s32 @!p0 $0x1;
	_ =	shalt  }
.Lfunc_end1:
_tile_overlayer_lowered:
.L_overlay_start_2:
0x45: {  	(tag) =	ssettag $0x2  }
0x46: {  	s0 =	rddreg [dreg:$0x0];
	s2 =	stileid.u32  }
0x47: {  	s1 =	rddreg [dreg:$0x1];
	p0 =	sne.s32 s2, $0x0  }
0x48: {  	s3 =	rddreg [dreg:$0x2];
	[bflag:$0x3] =	sbarrier.arrive $0xFFFF;
	s2 =	simm.s32 @!p0 $0x1C01  }
0x49: {  	[timem:s3], [sflag:s2] =	dma.local @!p0 [hbm:s0], s1  }
0x4a: {  	s0 =	simm.s32 @!p0 $0x1  }
0x4b: {  	_ =	swait.ge @!p0 [sflag:s0], s1  }
0x4c: {  	s1 =	ssub.s32 @!p0 $0x0, s1;
	[sflag:s0] =	ssyncset.done @!p0 $0x0  }
0x4d: {  	[sflag:s0] =	ssyncadd.s32 @!p0 s1  }
0x4e: {  	[bflag:$0x3] =	sbarrier.arrive $0xFFFF  }
0x4f: {  	_ =	shalt  }

</sc_bundles>
